<compile_context>
chip_gen: v7x
topology: tpu7x:2x2x1
jax: 0.10.2.dev20260603
libtpu: 0.0.44.dev20260713+nightly
codegen_flags: <defaults>
</compile_context>

<pallas_src>
import functools

import jax
import jax.numpy as jnp
from jax import lax
from jax.experimental import pallas as pl
from jax.experimental.pallas import tpu as pltpu
from jax.experimental.pallas import tpu_sc as plsc


@functools.lru_cache(maxsize=None)
def _make_gather(n_rows: int, dim: int):
    info = plsc.get_sparse_core_info()
    nc, ns = info.num_cores, info.num_subcores
    nw = nc * ns
    assert n_rows % (8 * nw) == 0
    b_per_w = n_rows // nw

    nbuf = 2
    chunk = 64
    assert b_per_w % (chunk * nbuf) == 0
    n_rounds = b_per_w // (chunk * nbuf)

    mesh = plsc.VectorSubcoreMesh(core_axis_name="c", subcore_axis_name="s")

    @functools.partial(
        pl.kernel,
        mesh=mesh,
        out_type=jax.ShapeDtypeStruct((n_rows, dim), jnp.float32),
        scratch_types=[
            pltpu.VMEM((b_per_w,), jnp.int32),
            pltpu.VMEM((nbuf, chunk, dim), jnp.float32),
            pltpu.SemaphoreType.DMA,
            pltpu.SemaphoreType.DMA,
        ],
    )
    def gather_kernel(table_hbm, idx_hbm, out_hbm, idx_v, rows_v, gsem, ssem):
        wid = lax.axis_index("s") * nc + lax.axis_index("c")
        base = wid * b_per_w
        pltpu.sync_copy(idx_hbm.at[pl.ds(base, b_per_w)], idx_v)

        def gather_start(c, b):
            pltpu.async_copy(
                table_hbm.at[idx_v.at[pl.ds(c * chunk, chunk)]],
                rows_v.at[b], gsem)

        def gather_wait(b):
            pltpu.make_async_copy(
                out_hbm.at[pl.ds(0, chunk)], rows_v.at[b], gsem).wait()

        def scatter_start(c, b):
            pltpu.async_copy(
                rows_v.at[b], out_hbm.at[pl.ds(base + c * chunk, chunk)], ssem)

        def scatter_wait(b):
            pltpu.make_async_copy(
                rows_v.at[b], out_hbm.at[pl.ds(0, chunk)], ssem).wait()

        for b in range(nbuf):
            gather_start(b, b)

        def body(i, carry):
            for b in range(nbuf):
                cur = i * nbuf + b
                gather_wait(b)
                scatter_start(cur, b)
            for b in range(nbuf):
                nxt = (i + 1) * nbuf + b

                @pl.when(nxt < n_rounds * nbuf)
                def _():
                    scatter_wait(b)
                    gather_start(nxt, b)

            return carry

        lax.fori_loop(0, n_rounds, body, 0)
        for b in range(nbuf):
            scatter_wait(b)

    return gather_kernel


def kernel(input, embedding_weight):
    b, l = input.shape
    _, dim = embedding_weight.shape
    idx = input.astype(jnp.int32).T.reshape(-1)
    out2d = _make_gather(idx.shape[0], dim)(embedding_weight, idx)
    return out2d.reshape(l, b, dim).transpose(1, 0, 2)

# --- scband reference (transcript-rebuilt; emitter-appended) ---
"""Pipeline reference for scband-decoder-5566277615741 (READ-ONLY COPY).

The authoritative reference and input builder live on the scoring server;
editing this copy changes nothing except your own understanding.
"""

import jax, jax.numpy as jnp
import numpy as np

VOCAB = 1000
DIM = 512
PAD_IDX = 0
B, L = 4096, 50

def setup_inputs(seed: int = 0):
    key = jax.random.key(seed)
    k1, k2 = jax.random.split(key)
    inp = jax.random.randint(k1, (B, L), 0, VOCAB)
    emb = jax.random.normal(k2, (VOCAB, DIM), dtype=jnp.float32)
    emb = emb.at[PAD_IDX].set(0.0)  # padding row is zero, matching nn.Embedding(padding_idx=PAD_IDX)
    return {"input": inp, "embedding_weight": emb}

def reference(input, embedding_weight):
    # Decoder embedding-lookup step: out = dropout_layer(embedding(input)).
    # dropout p=0.0 (and eval mode) -> identity, so forward is a pure embedding gather.
    out = jnp.take(embedding_weight, input, axis=0)
    return out

if __name__ == "__main__":
    import jax
    _d = setup_inputs()
    print(jax.jit(kernel)(*tuple(_d.values())))

</pallas_src>

<mosaic_0001>
#map = affine_map<(d0, d1) -> (0, 0)>
#map1 = affine_map<(d0, d1) -> (0)>
module attributes {stable_mosaic.version = 14 : i64} {
  func.func @gather_kernel(%arg0: i32, %arg1: i32, %arg2: memref<1000x512xf32, #tpu.memory_space<hbm>>, %arg3: memref<204800xi32, #tpu.memory_space<hbm>>, %arg4: memref<204800x512xf32, #tpu.memory_space<hbm>>, %arg5: memref<6400xi32, #tpu.memory_space<vmem>>, %arg6: memref<2x64x512xf32, #tpu.memory_space<vmem>>, %arg7: memref<!tpu.dma_semaphore, #tpu.memory_space<semaphore_mem>>, %arg8: memref<!tpu.dma_semaphore, #tpu.memory_space<semaphore_mem>>) attributes {dimension_semantics = [#tpu.dimension_semantics<core_parallel>, #tpu.dimension_semantics<subcore_parallel>], iteration_bounds = array<i64: 2, 16>, scalar_prefetch = 0 : i64, scratch_operands = 4 : i64, tpu.core_type = #tpu.core_type<sc_vector_subcore>, window_params = [{transform_indices = #map}, {transform_indices = #map1}, {transform_indices = #map}]} {
    %mul3A = arith.constant 2 : i32
    %mul3A_0 = arith.muli %arg1, %mul3A : i32
    %add3A = arith.addi %mul3A_0, %arg0 : i32
    %mul3A_1 = arith.constant 6400 : i32
    %mul3A_2 = arith.muli %add3A, %mul3A_1 : i32
    "tpu.region"() ({
      %run_scoped3A = tpu.sem_alloc : memref<!tpu.dma_semaphore, #tpu.memory_space<semaphore_mem>>
      %dma_start3A_56 = tpu.memref_slice %arg3[%mul3A_2] : memref<204800xi32, #tpu.memory_space<hbm>> -> memref<6400xi32, #tpu.memory_space<hbm>>
      %dma_start3A_57 = tpu.memref_slice %arg3[%mul3A_2] : memref<204800xi32, #tpu.memory_space<hbm>> -> memref<6400xi32, #tpu.memory_space<hbm>>
      tpu.enqueue_dma source(%dma_start3A_57 : memref<6400xi32, #tpu.memory_space<hbm>>) target(%arg5 : memref<6400xi32, #tpu.memory_space<vmem>>) target_semaphore(%run_scoped3A : memref<!tpu.dma_semaphore, #tpu.memory_space<semaphore_mem>>)
      %dma_wait3A_58 = tpu.memref_slice %arg3[%mul3A_2] : memref<204800xi32, #tpu.memory_space<hbm>> -> memref<6400xi32, #tpu.memory_space<hbm>>
      %dma_wait3A_59 = tpu.memref_slice %arg3[%mul3A_2] : memref<204800xi32, #tpu.memory_space<hbm>> -> memref<6400xi32, #tpu.memory_space<hbm>>
      tpu.wait_dma2 semaphore(%run_scoped3A : memref<!tpu.dma_semaphore, #tpu.memory_space<semaphore_mem>>) src(%dma_wait3A_59 : memref<6400xi32, #tpu.memory_space<hbm>>) dst(%arg5 : memref<6400xi32, #tpu.memory_space<vmem>>)
      tpu.yield
    }) : () -> ()
    %dma_start3A = arith.constant 0 : i32
    %dma_start3A_3 = arith.constant 0 : i32
    %dma_start3A_4 = arith.constant 0 : i32
    %dma_start3A_5 = tpu.memref_slice %arg6[%dma_start3A, %dma_start3A_3, %dma_start3A_4] : memref<2x64x512xf32, #tpu.memory_space<vmem>> -> memref<1x64x512xf32, #tpu.memory_space<vmem>>
    %dma_start3A_6 = tpu.memref_squeeze %dma_start3A_5 : memref<1x64x512xf32, #tpu.memory_space<vmem>> -> memref<64x512xf32, #tpu.memory_space<vmem>>
    %dma_start3A_7 = arith.constant 0 : i32
    %dma_start3A_8 = tpu.memref_slice %arg5[%dma_start3A_7] : memref<6400xi32, #tpu.memory_space<vmem>> -> memref<64xi32, #tpu.memory_space<vmem>>
    %dma_start3A_9 = arith.constant 0 : i32
    %dma_start3A_10 = arith.constant 0 : i32
    %dma_start3A_11 = tpu.memref_slice %arg2[%dma_start3A_9, %dma_start3A_10] : memref<1000x512xf32, #tpu.memory_space<hbm>> -> memref<1000x512xf32, #tpu.memory_space<hbm>>
    tpu.enqueue_indirect_dma source(%dma_start3A_11 : memref<1000x512xf32, #tpu.memory_space<hbm>>) target(%dma_start3A_6 : memref<64x512xf32, #tpu.memory_space<vmem>>) offsets(%dma_start3A_8 : memref<64xi32, #tpu.memory_space<vmem>>) semaphore(%arg7 : memref<!tpu.dma_semaphore, #tpu.memory_space<semaphore_mem>>)
    %dma_start3A_12 = arith.constant 1 : i32
    %dma_start3A_13 = arith.constant 0 : i32
    %dma_start3A_14 = arith.constant 0 : i32
    %dma_start3A_15 = tpu.memref_slice %arg6[%dma_start3A_12, %dma_start3A_13, %dma_start3A_14] : memref<2x64x512xf32, #tpu.memory_space<vmem>> -> memref<1x64x512xf32, #tpu.memory_space<vmem>>
    %dma_start3A_16 = tpu.memref_squeeze %dma_start3A_15 : memref<1x64x512xf32, #tpu.memory_space<vmem>> -> memref<64x512xf32, #tpu.memory_space<vmem>>
    %dma_start3A_17 = arith.constant 64 : i32
    %dma_start3A_18 = tpu.memref_slice %arg5[%dma_start3A_17] : memref<6400xi32, #tpu.memory_space<vmem>> -> memref<64xi32, #tpu.memory_space<vmem>>
    %dma_start3A_19 = arith.constant 0 : i32
    %dma_start3A_20 = arith.constant 0 : i32
    %dma_start3A_21 = tpu.memref_slice %arg2[%dma_start3A_19, %dma_start3A_20] : memref<1000x512xf32, #tpu.memory_space<hbm>> -> memref<1000x512xf32, #tpu.memory_space<hbm>>
    tpu.enqueue_indirect_dma source(%dma_start3A_21 : memref<1000x512xf32, #tpu.memory_space<hbm>>) target(%dma_start3A_16 : memref<64x512xf32, #tpu.memory_space<vmem>>) offsets(%dma_start3A_18 : memref<64xi32, #tpu.memory_space<vmem>>) semaphore(%arg7 : memref<!tpu.dma_semaphore, #tpu.memory_space<semaphore_mem>>)
    %scan3A = arith.constant 0 : i32
    %scan3A_22 = arith.constant 0 : i32
    %scan3A_23 = arith.constant 50 : i32
    %scan3A_24 = arith.addi %scan3A_22, %scan3A_23 : i32
    %scan3A_25 = arith.constant 1 : i32
    scf.for %scan3A_56 = %scan3A_22 to %scan3A_24 step %scan3A_25  : i32 {
      %mul3A_57 = arith.constant 2 : i32
      %mul3A_58 = arith.muli %scan3A_56, %mul3A_57 : i32
      %add3A_59 = arith.constant 0 : i32
      %add3A_60 = arith.addi %mul3A_58, %add3A_59 : i32
      %dma_wait3A_61 = arith.constant 0 : i32
      %dma_wait3A_62 = arith.constant 0 : i32
      %dma_wait3A_63 = arith.constant 0 : i32
      %dma_wait3A_64 = tpu.memref_slice %arg6[%dma_wait3A_61, %dma_wait3A_62, %dma_wait3A_63] : memref<2x64x512xf32, #tpu.memory_space<vmem>> -> memref<1x64x512xf32, #tpu.memory_space<vmem>>
      %dma_wait3A_65 = tpu.memref_squeeze %dma_wait3A_64 : memref<1x64x512xf32, #tpu.memory_space<vmem>> -> memref<64x512xf32, #tpu.memory_space<vmem>>
      %dma_wait3A_66 = arith.constant 0 : i32
      %dma_wait3A_67 = arith.constant 0 : i32
      %dma_wait3A_68 = tpu.memref_slice %arg4[%dma_wait3A_66, %dma_wait3A_67] : memref<204800x512xf32, #tpu.memory_space<hbm>> -> memref<64x512xf32, #tpu.memory_space<hbm>>
      %dma_wait3A_69 = arith.constant 0 : i32
      %dma_wait3A_70 = arith.constant 0 : i32
      %dma_wait3A_71 = tpu.memref_slice %arg6[%dma_wait3A_61, %dma_wait3A_69, %dma_wait3A_70] : memref<2x64x512xf32, #tpu.memory_space<vmem>> -> memref<1x64x512xf32, #tpu.memory_space<vmem>>
      %dma_wait3A_72 = tpu.memref_squeeze %dma_wait3A_71 : memref<1x64x512xf32, #tpu.memory_space<vmem>> -> memref<64x512xf32, #tpu.memory_space<vmem>>
      %dma_wait3A_73 = arith.constant 0 : i32
      %dma_wait3A_74 = arith.constant 0 : i32
      %dma_wait3A_75 = tpu.memref_slice %arg4[%dma_wait3A_73, %dma_wait3A_74] : memref<204800x512xf32, #tpu.memory_space<hbm>> -> memref<64x512xf32, #tpu.memory_space<hbm>>
      tpu.wait_dma2 semaphore(%arg7 : memref<!tpu.dma_semaphore, #tpu.memory_space<semaphore_mem>>) src(%dma_wait3A_75 : memref<64x512xf32, #tpu.memory_space<hbm>>) dst(%dma_wait3A_72 : memref<64x512xf32, #tpu.memory_space<vmem>>)
      %mul3A_76 = arith.constant 64 : i32
      %mul3A_77 = arith.muli %add3A_60, %mul3A_76 : i32
      %add3A_78 = arith.addi %mul3A_2, %mul3A_77 : i32
      %dma_start3A_79 = arith.constant 0 : i32
      %dma_start3A_80 = arith.constant 0 : i32
      %dma_start3A_81 = arith.constant 0 : i32
      %dma_start3A_82 = tpu.memref_slice %arg6[%dma_start3A_79, %dma_start3A_80, %dma_start3A_81] : memref<2x64x512xf32, #tpu.memory_space<vmem>> -> memref<1x64x512xf32, #tpu.memory_space<vmem>>
      %dma_start3A_83 = tpu.memref_squeeze %dma_start3A_82 : memref<1x64x512xf32, #tpu.memory_space<vmem>> -> memref<64x512xf32, #tpu.memory_space<vmem>>
      %dma_start3A_84 = arith.constant 0 : i32
      %dma_start3A_85 = tpu.memref_slice %arg4[%add3A_78, %dma_start3A_84] : memref<204800x512xf32, #tpu.memory_space<hbm>> -> memref<64x512xf32, #tpu.memory_space<hbm>>
      %dma_start3A_86 = arith.constant 0 : i32
      %dma_start3A_87 = tpu.memref_slice %arg4[%add3A_78, %dma_start3A_86] : memref<204800x512xf32, #tpu.memory_space<hbm>> -> memref<64x512xf32, #tpu.memory_space<hbm>>
      %dma_start3A_88 = arith.constant 0 : i32
      %dma_start3A_89 = arith.constant 0 : i32
      %dma_start3A_90 = tpu.memref_slice %arg6[%dma_start3A_79, %dma_start3A_88, %dma_start3A_89] : memref<2x64x512xf32, #tpu.memory_space<vmem>> -> memref<1x64x512xf32, #tpu.memory_space<vmem>>
      %dma_start3A_91 = tpu.memref_squeeze %dma_start3A_90 : memref<1x64x512xf32, #tpu.memory_space<vmem>> -> memref<64x512xf32, #tpu.memory_space<vmem>>
      tpu.enqueue_dma source(%dma_start3A_91 : memref<64x512xf32, #tpu.memory_space<vmem>>) target(%dma_start3A_87 : memref<64x512xf32, #tpu.memory_space<hbm>>) target_semaphore(%arg8 : memref<!tpu.dma_semaphore, #tpu.memory_space<semaphore_mem>>)
      %mul3A_92 = arith.constant 2 : i32
      %mul3A_93 = arith.muli %scan3A_56, %mul3A_92 : i32
      %add3A_94 = arith.constant 1 : i32
      %add3A_95 = arith.addi %mul3A_93, %add3A_94 : i32
      %dma_wait3A_96 = arith.constant 1 : i32
      %dma_wait3A_97 = arith.constant 0 : i32
      %dma_wait3A_98 = arith.constant 0 : i32
      %dma_wait3A_99 = tpu.memref_slice %arg6[%dma_wait3A_96, %dma_wait3A_97, %dma_wait3A_98] : memref<2x64x512xf32, #tpu.memory_space<vmem>> -> memref<1x64x512xf32, #tpu.memory_space<vmem>>
      %dma_wait3A_100 = tpu.memref_squeeze %dma_wait3A_99 : memref<1x64x512xf32, #tpu.memory_space<vmem>> -> memref<64x512xf32, #tpu.memory_space<vmem>>
      %dma_wait3A_101 = arith.constant 0 : i32
      %dma_wait3A_102 = arith.constant 0 : i32
      %dma_wait3A_103 = tpu.memref_slice %arg4[%dma_wait3A_101, %dma_wait3A_102] : memref<204800x512xf32, #tpu.memory_space<hbm>> -> memref<64x512xf32, #tpu.memory_space<hbm>>
      %dma_wait3A_104 = arith.constant 0 : i32
      %dma_wait3A_105 = arith.constant 0 : i32
      %dma_wait3A_106 = tpu.memref_slice %arg6[%dma_wait3A_96, %dma_wait3A_104, %dma_wait3A_105] : memref<2x64x512xf32, #tpu.memory_space<vmem>> -> memref<1x64x512xf32, #tpu.memory_space<vmem>>
      %dma_wait3A_107 = tpu.memref_squeeze %dma_wait3A_106 : memref<1x64x512xf32, #tpu.memory_space<vmem>> -> memref<64x512xf32, #tpu.memory_space<vmem>>
      %dma_wait3A_108 = arith.constant 0 : i32
      %dma_wait3A_109 = arith.constant 0 : i32
      %dma_wait3A_110 = tpu.memref_slice %arg4[%dma_wait3A_108, %dma_wait3A_109] : memref<204800x512xf32, #tpu.memory_space<hbm>> -> memref<64x512xf32, #tpu.memory_space<hbm>>
      tpu.wait_dma2 semaphore(%arg7 : memref<!tpu.dma_semaphore, #tpu.memory_space<semaphore_mem>>) src(%dma_wait3A_110 : memref<64x512xf32, #tpu.memory_space<hbm>>) dst(%dma_wait3A_107 : memref<64x512xf32, #tpu.memory_space<vmem>>)
      %mul3A_111 = arith.constant 64 : i32
      %mul3A_112 = arith.muli %add3A_95, %mul3A_111 : i32
      %add3A_113 = arith.addi %mul3A_2, %mul3A_112 : i32
      %dma_start3A_114 = arith.constant 1 : i32
      %dma_start3A_115 = arith.constant 0 : i32
      %dma_start3A_116 = arith.constant 0 : i32
      %dma_start3A_117 = tpu.memref_slice %arg6[%dma_start3A_114, %dma_start3A_115, %dma_start3A_116] : memref<2x64x512xf32, #tpu.memory_space<vmem>> -> memref<1x64x512xf32, #tpu.memory_space<vmem>>
      %dma_start3A_118 = tpu.memref_squeeze %dma_start3A_117 : memref<1x64x512xf32, #tpu.memory_space<vmem>> -> memref<64x512xf32, #tpu.memory_space<vmem>>
      %dma_start3A_119 = arith.constant 0 : i32
      %dma_start3A_120 = tpu.memref_slice %arg4[%add3A_113, %dma_start3A_119] : memref<204800x512xf32, #tpu.memory_space<hbm>> -> memref<64x512xf32, #tpu.memory_space<hbm>>
      %dma_start3A_121 = arith.constant 0 : i32
      %dma_start3A_122 = tpu.memref_slice %arg4[%add3A_113, %dma_start3A_121] : memref<204800x512xf32, #tpu.memory_space<hbm>> -> memref<64x512xf32, #tpu.memory_space<hbm>>
      %dma_start3A_123 = arith.constant 0 : i32
      %dma_start3A_124 = arith.constant 0 : i32
      %dma_start3A_125 = tpu.memref_slice %arg6[%dma_start3A_114, %dma_start3A_123, %dma_start3A_124] : memref<2x64x512xf32, #tpu.memory_space<vmem>> -> memref<1x64x512xf32, #tpu.memory_space<vmem>>
      %dma_start3A_126 = tpu.memref_squeeze %dma_start3A_125 : memref<1x64x512xf32, #tpu.memory_space<vmem>> -> memref<64x512xf32, #tpu.memory_space<vmem>>
      tpu.enqueue_dma source(%dma_start3A_126 : memref<64x512xf32, #tpu.memory_space<vmem>>) target(%dma_start3A_122 : memref<64x512xf32, #tpu.memory_space<hbm>>) target_semaphore(%arg8 : memref<!tpu.dma_semaphore, #tpu.memory_space<semaphore_mem>>)
      %add3A_127 = arith.constant 1 : i32
      %add3A_128 = arith.addi %scan3A_56, %add3A_127 : i32
      %mul3A_129 = arith.constant 2 : i32
      %mul3A_130 = arith.muli %add3A_128, %mul3A_129 : i32
      %add3A_131 = arith.constant 0 : i32
      %add3A_132 = arith.addi %mul3A_130, %add3A_131 : i32
      %lt3A = arith.constant 100 : i32
      %lt3A_133 = arith.cmpi slt, %add3A_132, %lt3A : i32
      %convert_element_type3A = arith.extui %lt3A_133 : i1 to i32
      %cond3A = arith.constant 0 : i32
      %cond3A_134 = arith.cmpi ne, %convert_element_type3A, %cond3A : i32
      scf.if %cond3A_134 {
        %dma_wait3A_146 = arith.constant 0 : i32
        %dma_wait3A_147 = arith.constant 0 : i32
        %dma_wait3A_148 = arith.constant 0 : i32
        %dma_wait3A_149 = tpu.memref_slice %arg6[%dma_wait3A_146, %dma_wait3A_147, %dma_wait3A_148] : memref<2x64x512xf32, #tpu.memory_space<vmem>> -> memref<1x64x512xf32, #tpu.memory_space<vmem>>
        %dma_wait3A_150 = tpu.memref_squeeze %dma_wait3A_149 : memref<1x64x512xf32, #tpu.memory_space<vmem>> -> memref<64x512xf32, #tpu.memory_space<vmem>>
        %dma_wait3A_151 = arith.constant 0 : i32
        %dma_wait3A_152 = arith.constant 0 : i32
        %dma_wait3A_153 = tpu.memref_slice %arg4[%dma_wait3A_151, %dma_wait3A_152] : memref<204800x512xf32, #tpu.memory_space<hbm>> -> memref<64x512xf32, #tpu.memory_space<hbm>>
        %dma_wait3A_154 = arith.constant 0 : i32
        %dma_wait3A_155 = arith.constant 0 : i32
        %dma_wait3A_156 = tpu.memref_slice %arg4[%dma_wait3A_154, %dma_wait3A_155] : memref<204800x512xf32, #tpu.memory_space<hbm>> -> memref<64x512xf32, #tpu.memory_space<hbm>>
        %dma_wait3A_157 = arith.constant 0 : i32
        %dma_wait3A_158 = arith.constant 0 : i32
        %dma_wait3A_159 = tpu.memref_slice %arg6[%dma_wait3A_146, %dma_wait3A_157, %dma_wait3A_158] : memref<2x64x512xf32, #tpu.memory_space<vmem>> -> memref<1x64x512xf32, #tpu.memory_space<vmem>>
        %dma_wait3A_160 = tpu.memref_squeeze %dma_wait3A_159 : memref<1x64x512xf32, #tpu.memory_space<vmem>> -> memref<64x512xf32, #tpu.memory_space<vmem>>
        tpu.wait_dma2 semaphore(%arg8 : memref<!tpu.dma_semaphore, #tpu.memory_space<semaphore_mem>>) src(%dma_wait3A_160 : memref<64x512xf32, #tpu.memory_space<vmem>>) dst(%dma_wait3A_156 : memref<64x512xf32, #tpu.memory_space<hbm>>)
        %mul3A_161 = arith.constant 64 : i32
        %mul3A_162 = arith.muli %add3A_132, %mul3A_161 : i32
        %dma_start3A_163 = arith.constant 0 : i32
        %dma_start3A_164 = arith.constant 0 : i32
        %dma_start3A_165 = arith.constant 0 : i32
        %dma_start3A_166 = tpu.memref_slice %arg6[%dma_start3A_163, %dma_start3A_164, %dma_start3A_165] : memref<2x64x512xf32, #tpu.memory_space<vmem>> -> memref<1x64x512xf32, #tpu.memory_space<vmem>>
        %dma_start3A_167 = tpu.memref_squeeze %dma_start3A_166 : memref<1x64x512xf32, #tpu.memory_space<vmem>> -> memref<64x512xf32, #tpu.memory_space<vmem>>
        %dma_start3A_168 = tpu.memref_slice %arg5[%mul3A_162] : memref<6400xi32, #tpu.memory_space<vmem>> -> memref<64xi32, #tpu.memory_space<vmem>>
        %dma_start3A_169 = arith.constant 0 : i32
        %dma_start3A_170 = arith.constant 0 : i32
        %dma_start3A_171 = tpu.memref_slice %arg2[%dma_start3A_169, %dma_start3A_170] : memref<1000x512xf32, #tpu.memory_space<hbm>> -> memref<1000x512xf32, #tpu.memory_space<hbm>>
        tpu.enqueue_indirect_dma source(%dma_start3A_171 : memref<1000x512xf32, #tpu.memory_space<hbm>>) target(%dma_start3A_167 : memref<64x512xf32, #tpu.memory_space<vmem>>) offsets(%dma_start3A_168 : memref<64xi32, #tpu.memory_space<vmem>>) semaphore(%arg7 : memref<!tpu.dma_semaphore, #tpu.memory_space<semaphore_mem>>)
      } else {
      }
      %add3A_135 = arith.constant 1 : i32
      %add3A_136 = arith.addi %scan3A_56, %add3A_135 : i32
      %mul3A_137 = arith.constant 2 : i32
      %mul3A_138 = arith.muli %add3A_136, %mul3A_137 : i32
      %add3A_139 = arith.constant 1 : i32
      %add3A_140 = arith.addi %mul3A_138, %add3A_139 : i32
      %lt3A_141 = arith.constant 100 : i32
      %lt3A_142 = arith.cmpi slt, %add3A_140, %lt3A_141 : i32
      %convert_element_type3A_143 = arith.extui %lt3A_142 : i1 to i32
      %cond3A_144 = arith.constant 0 : i32
      %cond3A_145 = arith.cmpi ne, %convert_element_type3A_143, %cond3A_144 : i32
      scf.if %cond3A_145 {
        %dma_wait3A_146 = arith.constant 1 : i32
        %dma_wait3A_147 = arith.constant 0 : i32
        %dma_wait3A_148 = arith.constant 0 : i32
        %dma_wait3A_149 = tpu.memref_slice %arg6[%dma_wait3A_146, %dma_wait3A_147, %dma_wait3A_148] : memref<2x64x512xf32, #tpu.memory_space<vmem>> -> memref<1x64x512xf32, #tpu.memory_space<vmem>>
        %dma_wait3A_150 = tpu.memref_squeeze %dma_wait3A_149 : memref<1x64x512xf32, #tpu.memory_space<vmem>> -> memref<64x512xf32, #tpu.memory_space<vmem>>
        %dma_wait3A_151 = arith.constant 0 : i32
        %dma_wait3A_152 = arith.constant 0 : i32
        %dma_wait3A_153 = tpu.memref_slice %arg4[%dma_wait3A_151, %dma_wait3A_152] : memref<204800x512xf32, #tpu.memory_space<hbm>> -> memref<64x512xf32, #tpu.memory_space<hbm>>
        %dma_wait3A_154 = arith.constant 0 : i32
        %dma_wait3A_155 = arith.constant 0 : i32
        %dma_wait3A_156 = tpu.memref_slice %arg4[%dma_wait3A_154, %dma_wait3A_155] : memref<204800x512xf32, #tpu.memory_space<hbm>> -> memref<64x512xf32, #tpu.memory_space<hbm>>
        %dma_wait3A_157 = arith.constant 0 : i32
        %dma_wait3A_158 = arith.constant 0 : i32
        %dma_wait3A_159 = tpu.memref_slice %arg6[%dma_wait3A_146, %dma_wait3A_157, %dma_wait3A_158] : memref<2x64x512xf32, #tpu.memory_space<vmem>> -> memref<1x64x512xf32, #tpu.memory_space<vmem>>
        %dma_wait3A_160 = tpu.memref_squeeze %dma_wait3A_159 : memref<1x64x512xf32, #tpu.memory_space<vmem>> -> memref<64x512xf32, #tpu.memory_space<vmem>>
        tpu.wait_dma2 semaphore(%arg8 : memref<!tpu.dma_semaphore, #tpu.memory_space<semaphore_mem>>) src(%dma_wait3A_160 : memref<64x512xf32, #tpu.memory_space<vmem>>) dst(%dma_wait3A_156 : memref<64x512xf32, #tpu.memory_space<hbm>>)
        %mul3A_161 = arith.constant 64 : i32
        %mul3A_162 = arith.muli %add3A_140, %mul3A_161 : i32
        %dma_start3A_163 = arith.constant 1 : i32
        %dma_start3A_164 = arith.constant 0 : i32
        %dma_start3A_165 = arith.constant 0 : i32
        %dma_start3A_166 = tpu.memref_slice %arg6[%dma_start3A_163, %dma_start3A_164, %dma_start3A_165] : memref<2x64x512xf32, #tpu.memory_space<vmem>> -> memref<1x64x512xf32, #tpu.memory_space<vmem>>
        %dma_start3A_167 = tpu.memref_squeeze %dma_start3A_166 : memref<1x64x512xf32, #tpu.memory_space<vmem>> -> memref<64x512xf32, #tpu.memory_space<vmem>>
        %dma_start3A_168 = tpu.memref_slice %arg5[%mul3A_162] : memref<6400xi32, #tpu.memory_space<vmem>> -> memref<64xi32, #tpu.memory_space<vmem>>
        %dma_start3A_169 = arith.constant 0 : i32
        %dma_start3A_170 = arith.constant 0 : i32
        %dma_start3A_171 = tpu.memref_slice %arg2[%dma_start3A_169, %dma_start3A_170] : memref<1000x512xf32, #tpu.memory_space<hbm>> -> memref<1000x512xf32, #tpu.memory_space<hbm>>
        tpu.enqueue_indirect_dma source(%dma_start3A_171 : memref<1000x512xf32, #tpu.memory_space<hbm>>) target(%dma_start3A_167 : memref<64x512xf32, #tpu.memory_space<vmem>>) offsets(%dma_start3A_168 : memref<64xi32, #tpu.memory_space<vmem>>) semaphore(%arg7 : memref<!tpu.dma_semaphore, #tpu.memory_space<semaphore_mem>>)
      } else {
      }
    }
    %scan3A_26 = arith.constant 50 : i32
    %dma_wait3A = arith.constant 0 : i32
    %dma_wait3A_27 = arith.constant 0 : i32
    %dma_wait3A_28 = arith.constant 0 : i32
    %dma_wait3A_29 = tpu.memref_slice %arg6[%dma_wait3A, %dma_wait3A_27, %dma_wait3A_28] : memref<2x64x512xf32, #tpu.memory_space<vmem>> -> memref<1x64x512xf32, #tpu.memory_space<vmem>>
    %dma_wait3A_30 = tpu.memref_squeeze %dma_wait3A_29 : memref<1x64x512xf32, #tpu.memory_space<vmem>> -> memref<64x512xf32, #tpu.memory_space<vmem>>
    %dma_wait3A_31 = arith.constant 0 : i32
    %dma_wait3A_32 = arith.constant 0 : i32
    %dma_wait3A_33 = tpu.memref_slice %arg4[%dma_wait3A_31, %dma_wait3A_32] : memref<204800x512xf32, #tpu.memory_space<hbm>> -> memref<64x512xf32, #tpu.memory_space<hbm>>
    %dma_wait3A_34 = arith.constant 0 : i32
    %dma_wait3A_35 = arith.constant 0 : i32
    %dma_wait3A_36 = tpu.memref_slice %arg4[%dma_wait3A_34, %dma_wait3A_35] : memref<204800x512xf32, #tpu.memory_space<hbm>> -> memref<64x512xf32, #tpu.memory_space<hbm>>
    %dma_wait3A_37 = arith.constant 0 : i32
    %dma_wait3A_38 = arith.constant 0 : i32
    %dma_wait3A_39 = tpu.memref_slice %arg6[%dma_wait3A, %dma_wait3A_37, %dma_wait3A_38] : memref<2x64x512xf32, #tpu.memory_space<vmem>> -> memref<1x64x512xf32, #tpu.memory_space<vmem>>
    %dma_wait3A_40 = tpu.memref_squeeze %dma_wait3A_39 : memref<1x64x512xf32, #tpu.memory_space<vmem>> -> memref<64x512xf32, #tpu.memory_space<vmem>>
    tpu.wait_dma2 semaphore(%arg8 : memref<!tpu.dma_semaphore, #tpu.memory_space<semaphore_mem>>) src(%dma_wait3A_40 : memref<64x512xf32, #tpu.memory_space<vmem>>) dst(%dma_wait3A_36 : memref<64x512xf32, #tpu.memory_space<hbm>>)
    %dma_wait3A_41 = arith.constant 1 : i32
    %dma_wait3A_42 = arith.constant 0 : i32
    %dma_wait3A_43 = arith.constant 0 : i32
    %dma_wait3A_44 = tpu.memref_slice %arg6[%dma_wait3A_41, %dma_wait3A_42, %dma_wait3A_43] : memref<2x64x512xf32, #tpu.memory_space<vmem>> -> memref<1x64x512xf32, #tpu.memory_space<vmem>>
    %dma_wait3A_45 = tpu.memref_squeeze %dma_wait3A_44 : memref<1x64x512xf32, #tpu.memory_space<vmem>> -> memref<64x512xf32, #tpu.memory_space<vmem>>
    %dma_wait3A_46 = arith.constant 0 : i32
    %dma_wait3A_47 = arith.constant 0 : i32
    %dma_wait3A_48 = tpu.memref_slice %arg4[%dma_wait3A_46, %dma_wait3A_47] : memref<204800x512xf32, #tpu.memory_space<hbm>> -> memref<64x512xf32, #tpu.memory_space<hbm>>
    %dma_wait3A_49 = arith.constant 0 : i32
    %dma_wait3A_50 = arith.constant 0 : i32
    %dma_wait3A_51 = tpu.memref_slice %arg4[%dma_wait3A_49, %dma_wait3A_50] : memref<204800x512xf32, #tpu.memory_space<hbm>> -> memref<64x512xf32, #tpu.memory_space<hbm>>
    %dma_wait3A_52 = arith.constant 0 : i32
    %dma_wait3A_53 = arith.constant 0 : i32
    %dma_wait3A_54 = tpu.memref_slice %arg6[%dma_wait3A_41, %dma_wait3A_52, %dma_wait3A_53] : memref<2x64x512xf32, #tpu.memory_space<vmem>> -> memref<1x64x512xf32, #tpu.memory_space<vmem>>
    %dma_wait3A_55 = tpu.memref_squeeze %dma_wait3A_54 : memref<1x64x512xf32, #tpu.memory_space<vmem>> -> memref<64x512xf32, #tpu.memory_space<vmem>>
    tpu.wait_dma2 semaphore(%arg8 : memref<!tpu.dma_semaphore, #tpu.memory_space<semaphore_mem>>) src(%dma_wait3A_55 : memref<64x512xf32, #tpu.memory_space<vmem>>) dst(%dma_wait3A_51 : memref<64x512xf32, #tpu.memory_space<hbm>>)
    return
  }
}

</mosaic_0001>

<sc_bundles>
// kernel: kernel.3.cloned.1.call-start
scs
__scs_entry_jumppad:
0x0: {  	(pc) =	sbr.rel $0x88, $3  }
0x1: {  	(tag) =	ssettag $0x0;
	lr =	simm.s32 $0x1  }
0x2: {  	[smem:$0x3F9F] =	sst lr;
	_ =	strace $0xD0000000  }
0x3: {  	_ = 	snop  }
0x4: {  	_ = 	snop  }
0x5: {  	_ = 	snop  }
0x6: {  	_ = 	snop  }
0x7: {  	_ = 	snop  }
__scs_overlays_trampoline_lowered:
0x8: {  	[smem:$0x3FAE] =	sst s0  }
0x9: {  	[smem:$0x3FAF] =	sst s1  }
0xa: {  	[smem:$0x3FB0] =	sst s2  }
0xb: {  	[smem:$0x3FB1] =	sst s3  }
0xc: {  	[smem:$0x3FB2] =	sst s4  }
0xd: {  	[smem:$0x3FB3] =	sst s5  }
0xe: {  	[smem:$0x3FB4] =	sst s6  }
0xf: {  	[smem:$0x3FB5] =	sst s7  }
0x10: {  	[smem:$0x3FB6] =	sst s8  }
0x11: {  	[smem:$0x3FB7] =	sst s9;
	s0 =	simm.s32 @!p0 $0x0  }
0x12: {  	s1 =	sld [smem:$0x3F9D];
	s0 =	simm.s32 @p0 $0x1  }
0x13: {  	[smem:$0x3FB8] =	sst s0;
	s0 =	simm.s32 @!p1 $0x0  }
0x14: {  	s2 =	sld [smem:$0x3F9C];
	s0 =	simm.s32 @p1 $0x1  }
0x15: {  	[smem:$0x3FB9] =	sst s0;
	s0 =	simm.s32 @!p2 $0x0  }
0x16: {  	s3 =	sld [smem:$0x3FDB];
	s0 =	simm.s32 @p2 $0x1  }
0x17: {  	s4 =	simm.s32 $0x1BF5;
	[smem:$0x3FBB] =	sst s0  }
0x18: {  	s0 =	sld [smem:$0x3F9E];
	_ =	swait.ge [sflag:s4], $0x0  }
0x19: {  	s7 =	sld [smem:$0x3F9F]  }
0x1a: {  	s8 =	sadd.s32 $0xFFFFE003, lr  }
0x1b: {  	s9 =	sadd.s32 $0xFFFFFEF7, lr;
	s5 =	simm.s32 $0xFFFFFFFF;
	p2 =	slt.u32 s8, $0xFFFFF086  }
0x1c: {  	p1 =	slt.u32 s9, $0xF7A;
	s5 =	simm.s32 @!p2 $0x0  }
0x1d: {  	s5 =	simm.s32 @p1 $0x1;
	p0 =	seq.s32 s7, s2  }
0x1e: {  	s7 =	smul.u32 @!p0 $0xF7A, s2;
	p2 =	seq.s32 @!p0 s5, $0x0  }
0x1f: {  	s9 =	smul.u32 $0xF7A, s1;
	s8 =	simm.s32 @!p0 $0x1BF5;
	p2 =	por !p2, p0  }
0x20: {  	[sflag:s8] =	ssyncset.s32 @!p0 $0xFFFFF086;
	s6 =	sadd.s32 @!p0 s3, s7;
	s7 =	simm.s32 @!p0 $0x108  }
0x21: {  	s3 =	sadd.s32 s3, s9;
	s6 =	sadd.s32 @!p0 $0x88, s6;
	s7 =	simm.s32 @p2 $0x1082  }
0x22: {  	[simem:s7], [sflag:s8] =	dma.local @!p0 [hbm:s6], $0xF7A  }
0x23: {  	s9 =	sor.u32 $0xD0000000, s2;
	s6 =	simm.s32 $0x108;
	_ =	swait.ge @!p0 [sflag:s8], $0x0  }
0x24: {  	s3 =	sadd.s32 $0x88, s3;
	s6 =	simm.s32 @!p1 $0x1082;
	[sflag:s4] =	ssyncset.s32 $0xFFFFF086  }
0x25: {  	[simem:s6], [sflag:s4] =	dma.local [hbm:s3], $0xF7A  }
0x26: {  	[smem:$0x3F9F] =	sst s1;
	(tag) =	ssettag s2;
	_ =	strace s9  }
0x27: {  	s1 =	sld [smem:$0x3FAF]  }
0x28: {  	s2 =	sld [smem:$0x3FB0]  }
0x29: {  	s4 =	sld [smem:$0x3FB2]  }
0x2a: {  	p0 =	seq.s32 s5, $0x0;
	s5 =	sld [smem:$0x3FB3]  }
0x2b: {  	s6 =	sld [smem:$0x3FB4]  }
0x2c: {  	s7 =	sld [smem:$0x3FB5]  }
0x2d: {  	s3 =	simm.s32 $0x108;
	s8 =	sld [smem:$0x3FB6]  }
0x2e: {  	s3 =	simm.s32 @!p0 $0x1082;
	s9 =	sld [smem:$0x3FB7]  }
0x2f: {  	lr =	sadd.s32 s0, s3;
	s0 =	sld [smem:$0x3FAE]  }
0x30: {  	s3 =	sld [smem:$0x3FB1]  }
0x31: {  	[smem:$0x3FBA] =	sst s10  }
0x32: {  	s10 =	sld [smem:$0x3FB8];
	_ =	sdelay $0x3  }
0x33: {  	p0 =	seq.s32 s10, $0x1;
	s10 =	sld [smem:$0x3FBA];
	_ =	sdelay $0x3  }
0x34: {  	[smem:$0x3FBA] =	sst s10  }
0x35: {  	s10 =	sld [smem:$0x3FB9];
	_ =	sdelay $0x3  }
0x36: {  	p1 =	seq.s32 s10, $0x1;
	s10 =	sld [smem:$0x3FBA];
	_ =	sdelay $0x3  }
0x37: {  	[smem:$0x3FBA] =	sst s10  }
0x38: {  	s10 =	sld [smem:$0x3FBB]  }
0x39: {  	_ = 	snop;
	(pc) =	sbr.ind lr, $3  }
0x3a: {  	_ = 	snop  }
0x3b: {  	_ = 	snop  }
0x3c: {  	p2 =	seq.s32 s10, $0x1;
	s10 =	sld [smem:$0x3FBA]  }
0x3d: {  	_ =	shalt  }
0x3e: {  	_ =	shalt  }
0x3f: {  	_ =	shalt  }
0x40: {  	_ =	shalt  }
0x41: {  	_ =	shalt  }
0x42: {  	_ =	shalt  }
0x43: {  	_ =	shalt  }
0x44: {  	_ =	shalt  }
0x45: {  	_ =	shalt  }
0x46: {  	_ =	shalt  }
0x47: {  	_ =	shalt  }
0x48: {  	_ =	shalt  }
0x49: {  	_ =	shalt  }
0x4a: {  	_ =	shalt  }
0x4b: {  	_ =	shalt  }
0x4c: {  	_ =	shalt  }
0x4d: {  	_ =	shalt  }
0x4e: {  	_ =	shalt  }
0x4f: {  	_ =	shalt  }
0x50: {  	_ =	shalt  }
0x51: {  	_ =	shalt  }
0x52: {  	_ =	shalt  }
0x53: {  	_ =	shalt  }
0x54: {  	_ =	shalt  }
0x55: {  	_ =	shalt  }
0x56: {  	_ =	shalt  }
0x57: {  	_ =	shalt  }
0x58: {  	_ =	shalt  }
0x59: {  	_ =	shalt  }
0x5a: {  	_ =	shalt  }
0x5b: {  	_ =	shalt  }
0x5c: {  	_ =	shalt  }
0x5d: {  	_ =	shalt  }
0x5e: {  	_ =	shalt  }
0x5f: {  	_ =	shalt  }
0x60: {  	_ =	shalt  }
0x61: {  	_ =	shalt  }
0x62: {  	_ =	shalt  }
0x63: {  	_ =	shalt  }
0x64: {  	_ =	shalt  }
0x65: {  	_ =	shalt  }
0x66: {  	_ =	shalt  }
0x67: {  	_ =	shalt  }
0x68: {  	_ =	shalt  }
0x69: {  	_ =	shalt  }
0x6a: {  	_ =	shalt  }
0x6b: {  	_ =	shalt  }
0x6c: {  	_ =	shalt  }
0x6d: {  	_ =	shalt  }
0x6e: {  	_ =	shalt  }
0x6f: {  	_ =	shalt  }
0x70: {  	_ =	shalt  }
0x71: {  	_ =	shalt  }
0x72: {  	_ =	shalt  }
0x73: {  	_ =	shalt  }
0x74: {  	_ =	shalt  }
0x75: {  	_ =	shalt  }
0x76: {  	_ =	shalt  }
0x77: {  	_ =	shalt  }
0x78: {  	_ =	shalt  }
0x79: {  	_ =	shalt  }
0x7a: {  	_ =	shalt  }
0x7b: {  	_ =	shalt  }
0x7c: {  	_ =	shalt  }
0x7d: {  	_ =	shalt  }
0x7e: {  	_ =	shalt  }
0x7f: {  	_ =	shalt  }
0x80: {  	_ =	shalt  }
0x81: {  	_ =	shalt  }
0x82: {  	_ =	shalt  }
0x83: {  	_ =	shalt  }
0x84: {  	_ =	shalt  }
0x85: {  	_ =	shalt  }
0x86: {  	_ =	shalt  }
0x87: {  	_ =	shalt  }
.Lfunc_end0:
.L_simem_size_0:
called_computation_lowered:
.L_overlay_start_0:
0x88: {  	s2 =	sld [smem:$0x3FD9]  }
0x89: {  	s3 =	sld [smem:$0x3FFE];
	_ =	sdelay $0x1  }
0x8a: {  	s1 =	srdreg.scid  }
0x8b: {  	s0 =	sand.u32 $0x1, s1  }
0x8c: {  	s17 =	sshll.u32 s0, $0xA;
	s2 =	sadd.s32 s3, s2  }
0x8d: {  	s2 =	sadd.s32 s2, s17  }
0x8e: {  	[smem:$0x3FC6] =	sst s2  }
0x8f: {  	_ = 	snop  }
0x90: {  	s2 =	sld [smem:$0x3FC8]  }
0x91: {  	s18 =	sld [smem:$0x3FD0];
	(tm) =	ssettm $0x1  }
0x92: {  	s4 =	sld [smem:$0x3FFB];
	_ =	sdelay $0x3  }
0x93: {  	_ =	strace s4  }
0x94: {  	s4 =	sld [smem:$0x3FFC];
	_ =	sdelay $0x3  }
0x95: {  	_ =	strace s4  }
0x96: {  	s4 =	sld [smem:$0x3FFD];
	_ =	sdelay $0x3  }
0x97: {  	_ =	strace s4  }
0x98: {  	_ =	strace $0x8FFFFFFF  }
0x99: {  	s19 =	sld [smem:$0x3FDB];
	_ =	sdelay $0x1  }
0x9a: {  	s5 =	simm.s32 $_scs_section_size  }
0x9b: {  	s6 =	simm.s32 $_size__tile_overlayer_lowered;
	s7 =	simm.s32 $_tile_overlayer_lowered  }
0x9c: {  	s22 =	simm.s32 $0x1BFF;
	s21 =	sshll.u32 s7, $0x1;
	s4 =	sadd.s32 s5, s19  }
0x9d: {  	s8 =	simm.s32 $0x0;
	s20 =	sshll.u32 s6, $0x1;
	s6 =	sadd.s32 s21, s4  }
0x9e: {  	[timem:s8], [sflag:s22] =	dma.local [hbm:s6], s20  }
0x9f: {  	_ =	swait.ge [sflag:s22], s20  }
0xa0: {  	s5 =	ssub.s32 $0x0, s20;
	[sflag:s22] =	ssyncset.done $0x0  }
0xa1: {  	[sflag:s22] =	ssyncadd.s32 s5;
	_ =	sdelay $0x1  }
0xa2: {  	s23 =	simm.s32 $0x1B8B  }
0xa3: {  	_ =	swait.ge [sflag:s23], $0x1  }
0xa4: {  	[sflag:s23] =	ssyncset.done $0x0  }
0xa5: {  	s25 =	simm.s32 $0x1B8E;
	s24 =	sld [smem:$0x3FFE];
	[sflag:s23] =	ssyncadd.s32 $0xFFFFFFFF  }
0xa6: {  	s26 =	simm.s32 $execute0_lowered;
	[smem:$0x3FD2] =	sst s25  }
0xa7: {  	s6 =	sshll.u32 s26, $0x1;
	_ =	strace $0x80000046;
	[dreg:$0x1] =	wrdreg $0xFFFFFFFF  }
0xa8: {  	s28 =	simm.s32 $_size_execute0_lowered;
	s4 =	sadd.s32 s4, s6;
	[dreg:$0x0] =	wrdreg $0x0  }
0xa9: {  	s6 =	sshll.u32 s28, $0x1;
	[dreg:$0x2] =	wrdreg s4  }
0xaa: {  	[dreg:$0x3] =	wrdreg s6  }
0xab: {  	[dreg:$0x4] =	wrdreg $0xC0  }
0xac: {  	_ =	task [dreg:s8], $0x5FFFF  }
0xad: {  	[dreg:$0x1] =	wrdreg $0xFFFFFFFF  }
0xae: {  	[dreg:$0x0] =	wrdreg $0x60  }
0xaf: {  	[dreg:$0x2] =	wrdreg s2  }
0xb0: {  	[dreg:$0x3] =	wrdreg s24  }
0xb1: {  	[dreg:$0x4] =	wrdreg s18  }
0xb2: {  	[dreg:$0x5] =	wrdreg $0x9  }
0xb3: {  	_ =	task.clear_ibuf [dreg:s8], $0x6FFFF;
	_ =	strace $0x90000046  }
0xb4: {  	s29 =	simm.s32 $0x9;
	_ =	strace $0x80000048  }
0xb5: {  	_ =	swait.ge [sflag:s29], $0x1  }
0xb6: {  	[sflag:s29] =	ssyncadd.s32 $0xFFFFFFFF  }
0xb7: {  	_ =	strace $0x90000048  }
0xb8: {  	_ =	sfence  }
0xb9: {  	s30 =	sld [smem:$0x0];
	_ =	sdelay $0x2  }
0xba: {  	s31 =	sshll.u32 s1, $0xD;
	s1 =	sshrl.u32 s1, $0x2  }
0xbb: {  	s3 =	sand.u32 $0x4000, s31;
	s1 =	sadd.s32 s1, s30  }
0xbc: {  	s0 =	sor.u32 s3, s0;
	s1 =	sshll.u32 s1, $0x11  }
0xbd: {  	s0 =	sor.u32 s1, s0  }
0xbe: {  	s0 =	sadd.s32 $0x8F2B, s0  }
0xbf: {  	[sflag:s0] =	ssyncadd.remote.s32 $0x1  }
0xc0: {  	_ =	sfence.sel $0xFFFF  }
0xc1: {  	[dreg:$0x0] =	wrdreg $0xFFFFFFFF;
	(pc) =	sbr.abs _section_cstart, $3  }
0xc2: {  	[dreg:$0x1] =	wrdreg $0xFFFFFFFF  }
0xc3: {  	_ =	task.clear_ibuf [dreg:s8], $0x2FFFF;
	_ =	strace $0x9FFFFFFF  }
0xc4: {  	(tm) =	ssettm $0x7FFFFFFF  }
0xc5: {  	_ =	shalt  }
tec
execute0_lowered:
.L_overlay_start_1:
0x0: {  	(tag) =	ssettag $0x1  }
0x1: {  	s1 =	rddreg [dreg:$0x0]  }
0x2: {  	s0 =	srdreg.scid;
	s4 =	rddreg [dreg:$0x1]  }
0x3: {  	s8 =	stileid.u32;
	s6 =	rddreg [dreg:$0x2]  }
0x4: {  	s3 =	simm.s32 $0x0;
	s22 =	simm.s32 $0x7900;
	s28 =	simm.s32 $0xA100  }
0x5: {  	s29 =	simm.s32 $0xA900;
	s30 =	simm.s32 $0xB100;
	s31 =	simm.s32 $0xB900  }
0x6: {  	s11 =	simm.s32 $0xE900;
	s12 =	simm.s32 $0xF100;
	s13 =	simm.s32 $0xF900  }
0x7: {  	s14 =	simm.s32 $0x10100;
	s15 =	simm.s32 $0x10900;
	s16 =	simm.s32 $0x11100  }
0x8: {  	s17 =	simm.s32 $0x1;
	s18 =	simm.s32 $0x2;
	s5 =	smul.u32 $0xC8000, s8  }
0x9: {  	s0 =	sand.u32 $0x1, s0;
	s2 =	sshll.u32 s8, $0x1;
	s8 =	smul.u32 $0x640000, s8  }
0xa: {  	s20 =	simm.s32 $0x0;
	[smem:$0x7FF] =	sst s3;
	s10 =	smul.u32 $0x320000, s0  }
0xb: {  	s2 =	sor.u32 s0, s2;
	s7 =	ssub.s32 $0x2, s0;
	s0 =	smul.u32 $0x64000, s0  }
0xc: {  	_ =	strace $0x80000047;
	s2 =	smul.u32 $0x320, s2;
	s9 =	sshrl.u32 s7, $0x1  }
0xd: {  	s24 =	sadd.s32 s5, s6;
	s5 =	sadd.s32 $0x100, s1;
	s23 =	ssub.s32 s7, s9  }
0xe: {  	s25 =	sadd.s32 s10, s8;
	s0 =	sadd.s32 s0, s24;
	s10 =	simm.s32 $0x1900  }
0xf: {  	s24 =	simm.s32 $0x8900;
	s9 =	simm.s32 $0xE100;
	s2 =	sadd.s32 s2, s4  }
.Ltmp0:
0x10: {  	s26 =	sshrl.u32 s25, $0x3;
	s4 =	smax.u32 s23, $0x1;
	(pc) =	sbr.rel .LBB2_1-.Ltmp0, $4  }
0x11: {  	s7 =	sadd.s32 $0x1000, s0;
	s23 =	simm.s32 $0x8100;
	s25 =	simm.s32 $0x9100  }
0x12: {  	v2 =	vlaneseq.u32;
	s0 =	simm.s32 $0xC900;
	s2 =	sadd.s32 $0x400, s2;
	[dreg:$0x5] =	wrdreg s4  }
0x13: {  	vm0 =	vmmov $0xffff;
	v1 =	vshrl.u32 v2, $0x3;
	s8 =	sadd.s32 s26, s6;
	s26 =	simm.s32 $0x9900;
	s4 =	simm.s32 $0xD100  }
0x14: {  	v0 =	vand.u32 $0x7, v2;
	v2 =	vor.u32 $0x8, v2;
	v1 =	vmul.u32 $0x8, v1;
	s6 =	simm.s32 $0xD900;
	[dreg:$0x4] =	wrdreg s2;
	s2 =	simm.s32 $0xC100  }
.LBB2_4:
0x15: {  	_ =	swait.ge [sflag:s18], $0x8000  }
0x16: {  	[sflag:s18] =	ssyncset.done $0x0  }
0x17: {  	[sflag:s18] =	ssyncadd.s32 $0xFFFF8000  }
0x18: {  	_ =	swait.ge [sflag:s18], $0x8000  }
0x19: {  	s20 =	rddreg [dreg:$0x6]  }
0x1a: {  	s19 =	rddreg [dreg:$0x5];
	s20 =	sadd.s32 $0x1, s20  }
0x1b: {  	p0 =	sne.s32 s20, s19  }
.Ltmp1:
0x1c: {  	_ = 	snop;
	(pc) =	sbr.rel @!p0 .LBB2_5-.Ltmp1, $3  }
0x1d: {  	_ =	sdelay $0x1  }
0x1e: {  	[sflag:s18] =	ssyncset.done $0x0  }
0x1f: {  	[sflag:s18] =	ssyncadd.s32 $0xFFFF8000  }
.LBB2_1:
0x20: {  	[dreg:$0x6] =	wrdreg s20  }
0x21: {  	s19 =	rddreg [dreg:$0x4];
	s20 =	simm.s32 $0x3  }
0x22: {  	[tilespmem:s3], [sflag:$0x3] =	stream.linear.gather [hbm4b:s19+s3], $0x1900, $0x38;
	[tilespmem:$0x11900] =	vst v63  }
0x23: {  	_ =	swait.ge [sflag:s20], $0x1900  }
0x24: {  	[sflag:s20] =	ssyncset.done $0x0  }
0x25: {  	[sflag:s20] =	ssyncadd.s32 $0xFFFFE700  }
0x26: {  	v3 =	vld [tilespmem:$0x0];
	_ =	sdelay $0x4  }
0x27: {  	v4 =	vshll.u32 v3, $0x2  }
0x28: {  	v3 =	vand.u32 $0x7, v3;
	v4 =	vand.u32 $0xFFFFFFE0, v4  }
0x29: {  	v3 =	vor.u32 v3, v4  }
0x2a: {  	v4 =	vperm.xlane v3, v0;
	_ =	sdelay $0x1  }
0x2b: {  	v4 =	vadd.s32 v1, v4;
	_ =	sdelay $0x1  }
0x2c: {  	v3 =	vperm.xlane v3, v2;
	_ =	sdelay $0x1  }
0x2d: {  	v3 =	vadd.s32 v1, v3  }
0x2e: {  	[tilespmem:s10], [sflag:$0x1] =	stream.indirect_vreg.gather [hbm4b:s1+s3], $0x80, v4, vm0, $0xb8;
	[tilespmem:$0x11900] =	vst v63  }
0x2f: {  	s21 =	simm.s32 $0x2100  }
0x30: {  	[tilespmem:s21], [sflag:$0x1] =	stream.indirect_vreg.gather [hbm4b:s5+s3], $0x80, v4, vm0, $0xb8;
	[tilespmem:$0x11900] =	vst v63  }
0x31: {  	s20 =	simm.s32 $0x2900  }
0x32: {  	[tilespmem:s20], [sflag:$0x1] =	stream.indirect_vreg.gather [hbm4b:s1+s3], $0x80, v3, vm0, $0xb8;
	[tilespmem:$0x11900] =	vst v63  }
0x33: {  	s21 =	simm.s32 $0x3100  }
0x34: {  	[tilespmem:s21], [sflag:$0x1] =	stream.indirect_vreg.gather [hbm4b:s5+s3], $0x80, v3, vm0, $0xb8;
	[tilespmem:$0x11900] =	vst v63  }
0x35: {  	v3 =	vld [tilespmem:$0x10];
	_ =	sdelay $0x4  }
0x36: {  	v57 =	vshll.u32 v3, $0x2  }
0x37: {  	v3 =	vand.u32 $0x7, v3;
	v4 =	vand.u32 $0xFFFFFFE0, v57  }
0x38: {  	v3 =	vor.u32 v3, v4  }
0x39: {  	v4 =	vperm.xlane v3, v0;
	_ =	sdelay $0x1  }
0x3a: {  	v4 =	vadd.s32 v1, v4;
	_ =	sdelay $0x1  }
0x3b: {  	v3 =	vperm.xlane v3, v2;
	_ =	sdelay $0x1  }
0x3c: {  	s20 =	simm.s32 $0x3900;
	v3 =	vadd.s32 v1, v3  }
0x3d: {  	[tilespmem:s20], [sflag:$0x1] =	stream.indirect_vreg.gather [hbm4b:s1+s3], $0x80, v4, vm0, $0xb8;
	[tilespmem:$0x11900] =	vst v63  }
0x3e: {  	s21 =	simm.s32 $0x4100  }
0x3f: {  	[tilespmem:s21], [sflag:$0x1] =	stream.indirect_vreg.gather [hbm4b:s5+s3], $0x80, v4, vm0, $0xb8;
	[tilespmem:$0x11900] =	vst v63  }
0x40: {  	s20 =	simm.s32 $0x4900  }
0x41: {  	[tilespmem:s20], [sflag:$0x1] =	stream.indirect_vreg.gather [hbm4b:s1+s3], $0x80, v3, vm0, $0xb8;
	[tilespmem:$0x11900] =	vst v63  }
0x42: {  	s21 =	simm.s32 $0x5100  }
0x43: {  	[tilespmem:s21], [sflag:$0x1] =	stream.indirect_vreg.gather [hbm4b:s5+s3], $0x80, v3, vm0, $0xb8;
	[tilespmem:$0x11900] =	vst v63  }
0x44: {  	v3 =	vld [tilespmem:$0x20];
	_ =	sdelay $0x4  }
0x45: {  	v58 =	vshll.u32 v3, $0x2  }
0x46: {  	v3 =	vand.u32 $0x7, v3;
	v4 =	vand.u32 $0xFFFFFFE0, v58  }
0x47: {  	v3 =	vor.u32 v3, v4  }
0x48: {  	v4 =	vperm.xlane v3, v0;
	_ =	sdelay $0x1  }
0x49: {  	v4 =	vadd.s32 v1, v4;
	_ =	sdelay $0x1  }
0x4a: {  	v3 =	vperm.xlane v3, v2;
	_ =	sdelay $0x1  }
0x4b: {  	s20 =	simm.s32 $0x5900;
	v3 =	vadd.s32 v1, v3  }
0x4c: {  	[tilespmem:s20], [sflag:$0x1] =	stream.indirect_vreg.gather [hbm4b:s1+s3], $0x80, v4, vm0, $0xb8;
	[tilespmem:$0x11900] =	vst v63  }
0x4d: {  	s21 =	simm.s32 $0x6100  }
0x4e: {  	[tilespmem:s21], [sflag:$0x1] =	stream.indirect_vreg.gather [hbm4b:s5+s3], $0x80, v4, vm0, $0xb8;
	[tilespmem:$0x11900] =	vst v63  }
0x4f: {  	s20 =	simm.s32 $0x6900  }
0x50: {  	[tilespmem:s20], [sflag:$0x1] =	stream.indirect_vreg.gather [hbm4b:s1+s3], $0x80, v3, vm0, $0xb8;
	[tilespmem:$0x11900] =	vst v63  }
0x51: {  	s21 =	simm.s32 $0x7100  }
0x52: {  	[tilespmem:s21], [sflag:$0x1] =	stream.indirect_vreg.gather [hbm4b:s5+s3], $0x80, v3, vm0, $0xb8;
	[tilespmem:$0x11900] =	vst v63  }
0x53: {  	v3 =	vld [tilespmem:$0x30];
	_ =	sdelay $0x4  }
0x54: {  	v59 =	vshll.u32 v3, $0x2  }
0x55: {  	v3 =	vand.u32 $0x7, v3;
	v4 =	vand.u32 $0xFFFFFFE0, v59  }
0x56: {  	v3 =	vor.u32 v3, v4  }
0x57: {  	v4 =	vperm.xlane v3, v0;
	_ =	sdelay $0x1  }
0x58: {  	v4 =	vadd.s32 v1, v4;
	_ =	sdelay $0x1  }
0x59: {  	v3 =	vperm.xlane v3, v2;
	_ =	sdelay $0x1  }
0x5a: {  	v3 =	vadd.s32 v1, v3  }
0x5b: {  	[tilespmem:s22], [sflag:$0x1] =	stream.indirect_vreg.gather [hbm4b:s1+s3], $0x80, v4, vm0, $0xb8;
	[tilespmem:$0x11900] =	vst v63  }
0x5c: {  	_ = 	snop  }
0x5d: {  	[tilespmem:s23], [sflag:$0x1] =	stream.indirect_vreg.gather [hbm4b:s5+s3], $0x80, v4, vm0, $0xb8;
	[tilespmem:$0x11900] =	vst v63  }
0x5e: {  	_ = 	snop  }
0x5f: {  	[tilespmem:s24], [sflag:$0x1] =	stream.indirect_vreg.gather [hbm4b:s1+s3], $0x80, v3, vm0, $0xb8;
	[tilespmem:$0x11900] =	vst v63  }
0x60: {  	_ = 	snop  }
0x61: {  	[tilespmem:s25], [sflag:$0x1] =	stream.indirect_vreg.gather [hbm4b:s5+s3], $0x80, v3, vm0, $0xb8;
	[tilespmem:$0x11900] =	vst v63  }
0x62: {  	v3 =	vld [tilespmem:$0x40];
	_ =	sdelay $0x4  }
0x63: {  	v60 =	vshll.u32 v3, $0x2  }
0x64: {  	v3 =	vand.u32 $0x7, v3;
	v4 =	vand.u32 $0xFFFFFFE0, v60  }
0x65: {  	v3 =	vor.u32 v3, v4  }
0x66: {  	v4 =	vperm.xlane v3, v0;
	_ =	sdelay $0x1  }
0x67: {  	v4 =	vadd.s32 v1, v4;
	_ =	sdelay $0x1  }
0x68: {  	v3 =	vperm.xlane v3, v2;
	_ =	sdelay $0x1  }
0x69: {  	v3 =	vadd.s32 v1, v3  }
0x6a: {  	[tilespmem:s26], [sflag:$0x1] =	stream.indirect_vreg.gather [hbm4b:s1+s3], $0x80, v4, vm0, $0xb8;
	[tilespmem:$0x11900] =	vst v63  }
0x6b: {  	_ = 	snop  }
0x6c: {  	[tilespmem:s28], [sflag:$0x1] =	stream.indirect_vreg.gather [hbm4b:s5+s3], $0x80, v4, vm0, $0xb8;
	[tilespmem:$0x11900] =	vst v63  }
0x6d: {  	_ = 	snop  }
0x6e: {  	[tilespmem:s29], [sflag:$0x1] =	stream.indirect_vreg.gather [hbm4b:s1+s3], $0x80, v3, vm0, $0xb8;
	[tilespmem:$0x11900] =	vst v63  }
0x6f: {  	_ = 	snop  }
0x70: {  	[tilespmem:s30], [sflag:$0x1] =	stream.indirect_vreg.gather [hbm4b:s5+s3], $0x80, v3, vm0, $0xb8;
	[tilespmem:$0x11900] =	vst v63  }
0x71: {  	v3 =	vld [tilespmem:$0x50];
	_ =	sdelay $0x4  }
0x72: {  	v61 =	vshll.u32 v3, $0x2  }
0x73: {  	v3 =	vand.u32 $0x7, v3;
	v4 =	vand.u32 $0xFFFFFFE0, v61  }
0x74: {  	v3 =	vor.u32 v3, v4  }
0x75: {  	v4 =	vperm.xlane v3, v0;
	_ =	sdelay $0x1  }
0x76: {  	v4 =	vadd.s32 v1, v4;
	_ =	sdelay $0x1  }
0x77: {  	v3 =	vperm.xlane v3, v2;
	_ =	sdelay $0x1  }
0x78: {  	v3 =	vadd.s32 v1, v3  }
0x79: {  	[tilespmem:s31], [sflag:$0x1] =	stream.indirect_vreg.gather [hbm4b:s1+s3], $0x80, v4, vm0, $0xb8;
	[tilespmem:$0x11900] =	vst v63  }
0x7a: {  	_ = 	snop  }
0x7b: {  	[tilespmem:s2], [sflag:$0x1] =	stream.indirect_vreg.gather [hbm4b:s5+s3], $0x80, v4, vm0, $0xb8;
	[tilespmem:$0x11900] =	vst v63  }
0x7c: {  	_ = 	snop  }
0x7d: {  	[tilespmem:s0], [sflag:$0x1] =	stream.indirect_vreg.gather [hbm4b:s1+s3], $0x80, v3, vm0, $0xb8;
	[tilespmem:$0x11900] =	vst v63  }
0x7e: {  	_ = 	snop  }
0x7f: {  	[tilespmem:s4], [sflag:$0x1] =	stream.indirect_vreg.gather [hbm4b:s5+s3], $0x80, v3, vm0, $0xb8;
	[tilespmem:$0x11900] =	vst v63  }
0x80: {  	v3 =	vld [tilespmem:$0x60];
	_ =	sdelay $0x4  }
0x81: {  	v62 =	vshll.u32 v3, $0x2  }
0x82: {  	v3 =	vand.u32 $0x7, v3;
	v4 =	vand.u32 $0xFFFFFFE0, v62  }
0x83: {  	v3 =	vor.u32 v3, v4  }
0x84: {  	v4 =	vperm.xlane v3, v0;
	_ =	sdelay $0x1  }
0x85: {  	v4 =	vadd.s32 v1, v4;
	_ =	sdelay $0x1  }
0x86: {  	v3 =	vperm.xlane v3, v2;
	_ =	sdelay $0x1  }
0x87: {  	v3 =	vadd.s32 v1, v3  }
0x88: {  	[tilespmem:s6], [sflag:$0x1] =	stream.indirect_vreg.gather [hbm4b:s1+s3], $0x80, v4, vm0, $0xb8;
	[tilespmem:$0x11900] =	vst v63  }
0x89: {  	_ = 	snop  }
0x8a: {  	[tilespmem:s9], [sflag:$0x1] =	stream.indirect_vreg.gather [hbm4b:s5+s3], $0x80, v4, vm0, $0xb8;
	[tilespmem:$0x11900] =	vst v63  }
0x8b: {  	_ = 	snop  }
0x8c: {  	[tilespmem:s11], [sflag:$0x1] =	stream.indirect_vreg.gather [hbm4b:s1+s3], $0x80, v3, vm0, $0xb8;
	[tilespmem:$0x11900] =	vst v63  }
0x8d: {  	_ = 	snop  }
0x8e: {  	[tilespmem:s12], [sflag:$0x1] =	stream.indirect_vreg.gather [hbm4b:s5+s3], $0x80, v3, vm0, $0xb8;
	[tilespmem:$0x11900] =	vst v63  }
0x8f: {  	v3 =	vld [tilespmem:$0x70];
	_ =	sdelay $0x4  }
0x90: {  	v63 =	vshll.u32 v3, $0x2  }
0x91: {  	v3 =	vand.u32 $0x7, v3;
	v4 =	vand.u32 $0xFFFFFFE0, v63  }
0x92: {  	v3 =	vor.u32 v3, v4  }
0x93: {  	v4 =	vperm.xlane v3, v0;
	_ =	sdelay $0x1  }
0x94: {  	v4 =	vadd.s32 v1, v4;
	_ =	sdelay $0x1  }
0x95: {  	v3 =	vperm.xlane v3, v2;
	_ =	sdelay $0x1  }
0x96: {  	v3 =	vadd.s32 v1, v3  }
0x97: {  	[tilespmem:s13], [sflag:$0x1] =	stream.indirect_vreg.gather [hbm4b:s1+s3], $0x80, v4, vm0, $0xb8;
	[tilespmem:$0x11900] =	vst v63  }
0x98: {  	_ = 	snop  }
0x99: {  	[tilespmem:s14], [sflag:$0x1] =	stream.indirect_vreg.gather [hbm4b:s5+s3], $0x80, v4, vm0, $0xb8;
	[tilespmem:$0x11900] =	vst v63  }
0x9a: {  	_ = 	snop  }
0x9b: {  	[tilespmem:s15], [sflag:$0x1] =	stream.indirect_vreg.gather [hbm4b:s1+s3], $0x80, v3, vm0, $0xb8;
	[tilespmem:$0x11900] =	vst v63  }
0x9c: {  	s19 =	simm.s32 $0xF0;
	s20 =	simm.s32 $0x0  }
0x9d: {  	[tilespmem:s16], [sflag:$0x1] =	stream.indirect_vreg.gather [hbm4b:s5+s3], $0x80, v3, vm0, $0xb8;
	[tilespmem:$0x11900] =	vst v63  }
.LBB2_2:
0x9e: {  	_ =	swait.ge [sflag:s17], $0x8000  }
0x9f: {  	[sflag:s17] =	ssyncset.done $0x0  }
0xa0: {  	s21 =	sadd.s32 s20, s8;
	p0 =	seq.s32 s20, $0x62000;
	[sflag:s17] =	ssyncadd.s32 $0xFFFF8000  }
0xa1: {  	[hbm4b:s21+s3] =	stream.linear.scatter [tilespmem:s10], [sflag:$0x2], $0x8000, $0x38;
	[tilespmem:$0x11900] =	vst v63  }
.Ltmp2:
0xa2: {  	_ = 	snop;
	(pc) =	sbr.rel @p0 .LBB2_4-.Ltmp2, $4  }
0xa3: {  	_ =	swait.ge [sflag:s17], $0x8000  }
0xa4: {  	[sflag:s17] =	ssyncset.done $0x0  }
0xa5: {  	s21 =	sadd.s32 s20, s7;
	[sflag:s17] =	ssyncadd.s32 $0xFFFF8000  }
0xa6: {  	[hbm4b:s21+s3] =	stream.linear.scatter [tilespmem:s26], [sflag:$0x2], $0x8000, $0x38;
	[tilespmem:$0x11900] =	vst v63  }
0xa7: {  	_ =	swait.ge [sflag:s18], $0x8000  }
0xa8: {  	[sflag:s18] =	ssyncset.done $0x0  }
0xa9: {  	[sflag:s18] =	ssyncadd.s32 $0xFFFF8000  }
0xaa: {  	v3 =	vld [tilespmem:s19+$0xFFFFFF90];
	_ =	sdelay $0x4  }
0xab: {  	v4 =	vshll.u32 v3, $0x2  }
0xac: {  	v3 =	vand.u32 $0x7, v3;
	v4 =	vand.u32 $0xFFFFFFE0, v4  }
0xad: {  	v3 =	vor.u32 v3, v4  }
0xae: {  	v4 =	vperm.xlane v3, v0;
	_ =	sdelay $0x1  }
0xaf: {  	v4 =	vadd.s32 v1, v4;
	_ =	sdelay $0x1  }
0xb0: {  	v3 =	vperm.xlane v3, v2;
	_ =	sdelay $0x1  }
0xb1: {  	v3 =	vadd.s32 v1, v3  }
0xb2: {  	[tilespmem:s10], [sflag:$0x1] =	stream.indirect_vreg.gather [hbm4b:s1+s3], $0x80, v4, vm0, $0xb8;
	[tilespmem:$0x11900] =	vst v63  }
0xb3: {  	s21 =	simm.s32 $0x2100  }
0xb4: {  	[tilespmem:s21], [sflag:$0x1] =	stream.indirect_vreg.gather [hbm4b:s5+s3], $0x80, v4, vm0, $0xb8;
	[tilespmem:$0x11900] =	vst v63  }
0xb5: {  	s21 =	simm.s32 $0x2900  }
0xb6: {  	[tilespmem:s21], [sflag:$0x1] =	stream.indirect_vreg.gather [hbm4b:s1+s3], $0x80, v3, vm0, $0xb8;
	[tilespmem:$0x11900] =	vst v63  }
0xb7: {  	s21 =	simm.s32 $0x3100  }
0xb8: {  	[tilespmem:s21], [sflag:$0x1] =	stream.indirect_vreg.gather [hbm4b:s5+s3], $0x80, v3, vm0, $0xb8;
	[tilespmem:$0x11900] =	vst v63  }
0xb9: {  	v3 =	vld [tilespmem:s19+$0xFFFFFFA0];
	_ =	sdelay $0x4  }
0xba: {  	v57 =	vshll.u32 v3, $0x2  }
0xbb: {  	v3 =	vand.u32 $0x7, v3;
	v4 =	vand.u32 $0xFFFFFFE0, v57  }
0xbc: {  	v3 =	vor.u32 v3, v4  }
0xbd: {  	v4 =	vperm.xlane v3, v0;
	_ =	sdelay $0x1  }
0xbe: {  	v4 =	vadd.s32 v1, v4;
	_ =	sdelay $0x1  }
0xbf: {  	v3 =	vperm.xlane v3, v2;
	_ =	sdelay $0x1  }
0xc0: {  	s21 =	simm.s32 $0x3900;
	v3 =	vadd.s32 v1, v3  }
0xc1: {  	[tilespmem:s21], [sflag:$0x1] =	stream.indirect_vreg.gather [hbm4b:s1+s3], $0x80, v4, vm0, $0xb8;
	[tilespmem:$0x11900] =	vst v63  }
0xc2: {  	s21 =	simm.s32 $0x4100  }
0xc3: {  	[tilespmem:s21], [sflag:$0x1] =	stream.indirect_vreg.gather [hbm4b:s5+s3], $0x80, v4, vm0, $0xb8;
	[tilespmem:$0x11900] =	vst v63  }
0xc4: {  	s21 =	simm.s32 $0x4900  }
0xc5: {  	[tilespmem:s21], [sflag:$0x1] =	stream.indirect_vreg.gather [hbm4b:s1+s3], $0x80, v3, vm0, $0xb8;
	[tilespmem:$0x11900] =	vst v63  }
0xc6: {  	s21 =	simm.s32 $0x5100  }
0xc7: {  	[tilespmem:s21], [sflag:$0x1] =	stream.indirect_vreg.gather [hbm4b:s5+s3], $0x80, v3, vm0, $0xb8;
	[tilespmem:$0x11900] =	vst v63  }
0xc8: {  	v3 =	vld [tilespmem:s19+$0xFFFFFFB0];
	_ =	sdelay $0x4  }
0xc9: {  	v58 =	vshll.u32 v3, $0x2  }
0xca: {  	v3 =	vand.u32 $0x7, v3;
	v4 =	vand.u32 $0xFFFFFFE0, v58  }
0xcb: {  	v3 =	vor.u32 v3, v4  }
0xcc: {  	v4 =	vperm.xlane v3, v0;
	_ =	sdelay $0x1  }
0xcd: {  	v4 =	vadd.s32 v1, v4;
	_ =	sdelay $0x1  }
0xce: {  	v3 =	vperm.xlane v3, v2;
	_ =	sdelay $0x1  }
0xcf: {  	s21 =	simm.s32 $0x5900;
	v3 =	vadd.s32 v1, v3  }
0xd0: {  	[tilespmem:s21], [sflag:$0x1] =	stream.indirect_vreg.gather [hbm4b:s1+s3], $0x80, v4, vm0, $0xb8;
	[tilespmem:$0x11900] =	vst v63  }
0xd1: {  	s21 =	simm.s32 $0x6100  }
0xd2: {  	[tilespmem:s21], [sflag:$0x1] =	stream.indirect_vreg.gather [hbm4b:s5+s3], $0x80, v4, vm0, $0xb8;
	[tilespmem:$0x11900] =	vst v63  }
0xd3: {  	s21 =	simm.s32 $0x6900  }
0xd4: {  	[tilespmem:s21], [sflag:$0x1] =	stream.indirect_vreg.gather [hbm4b:s1+s3], $0x80, v3, vm0, $0xb8;
	[tilespmem:$0x11900] =	vst v63  }
0xd5: {  	s21 =	simm.s32 $0x7100  }
0xd6: {  	[tilespmem:s21], [sflag:$0x1] =	stream.indirect_vreg.gather [hbm4b:s5+s3], $0x80, v3, vm0, $0xb8;
	[tilespmem:$0x11900] =	vst v63  }
0xd7: {  	v3 =	vld [tilespmem:s19+$0xFFFFFFC0];
	_ =	sdelay $0x4  }
0xd8: {  	v59 =	vshll.u32 v3, $0x2  }
0xd9: {  	v3 =	vand.u32 $0x7, v3;
	v4 =	vand.u32 $0xFFFFFFE0, v59  }
0xda: {  	v3 =	vor.u32 v3, v4  }
0xdb: {  	v4 =	vperm.xlane v3, v0;
	_ =	sdelay $0x1  }
0xdc: {  	v4 =	vadd.s32 v1, v4;
	_ =	sdelay $0x1  }
0xdd: {  	v3 =	vperm.xlane v3, v2;
	_ =	sdelay $0x1  }
0xde: {  	v3 =	vadd.s32 v1, v3  }
0xdf: {  	[tilespmem:s22], [sflag:$0x1] =	stream.indirect_vreg.gather [hbm4b:s1+s3], $0x80, v4, vm0, $0xb8;
	[tilespmem:$0x11900] =	vst v63  }
0xe0: {  	_ = 	snop  }
0xe1: {  	[tilespmem:s23], [sflag:$0x1] =	stream.indirect_vreg.gather [hbm4b:s5+s3], $0x80, v4, vm0, $0xb8;
	[tilespmem:$0x11900] =	vst v63  }
0xe2: {  	_ = 	snop  }
0xe3: {  	[tilespmem:s24], [sflag:$0x1] =	stream.indirect_vreg.gather [hbm4b:s1+s3], $0x80, v3, vm0, $0xb8;
	[tilespmem:$0x11900] =	vst v63  }
0xe4: {  	_ = 	snop  }
0xe5: {  	[tilespmem:s25], [sflag:$0x1] =	stream.indirect_vreg.gather [hbm4b:s5+s3], $0x80, v3, vm0, $0xb8;
	[tilespmem:$0x11900] =	vst v63  }
0xe6: {  	_ =	swait.ge [sflag:s18], $0x8000  }
0xe7: {  	[sflag:s18] =	ssyncset.done $0x0  }
0xe8: {  	[sflag:s18] =	ssyncadd.s32 $0xFFFF8000  }
0xe9: {  	v3 =	vld [tilespmem:s19+$0xFFFFFFD0];
	_ =	sdelay $0x4  }
0xea: {  	v60 =	vshll.u32 v3, $0x2  }
0xeb: {  	v3 =	vand.u32 $0x7, v3;
	v4 =	vand.u32 $0xFFFFFFE0, v60  }
0xec: {  	v3 =	vor.u32 v3, v4  }
0xed: {  	v4 =	vperm.xlane v3, v0;
	_ =	sdelay $0x1  }
0xee: {  	v4 =	vadd.s32 v1, v4;
	_ =	sdelay $0x1  }
0xef: {  	v3 =	vperm.xlane v3, v2;
	_ =	sdelay $0x1  }
0xf0: {  	v3 =	vadd.s32 v1, v3  }
0xf1: {  	[tilespmem:s26], [sflag:$0x1] =	stream.indirect_vreg.gather [hbm4b:s1+s3], $0x80, v4, vm0, $0xb8;
	[tilespmem:$0x11900] =	vst v63  }
0xf2: {  	_ = 	snop  }
0xf3: {  	[tilespmem:s28], [sflag:$0x1] =	stream.indirect_vreg.gather [hbm4b:s5+s3], $0x80, v4, vm0, $0xb8;
	[tilespmem:$0x11900] =	vst v63  }
0xf4: {  	_ = 	snop  }
0xf5: {  	[tilespmem:s29], [sflag:$0x1] =	stream.indirect_vreg.gather [hbm4b:s1+s3], $0x80, v3, vm0, $0xb8;
	[tilespmem:$0x11900] =	vst v63  }
0xf6: {  	_ = 	snop  }
0xf7: {  	[tilespmem:s30], [sflag:$0x1] =	stream.indirect_vreg.gather [hbm4b:s5+s3], $0x80, v3, vm0, $0xb8;
	[tilespmem:$0x11900] =	vst v63  }
0xf8: {  	v3 =	vld [tilespmem:s19+$0xFFFFFFE0];
	_ =	sdelay $0x4  }
0xf9: {  	v61 =	vshll.u32 v3, $0x2  }
0xfa: {  	v3 =	vand.u32 $0x7, v3;
	v4 =	vand.u32 $0xFFFFFFE0, v61  }
0xfb: {  	v3 =	vor.u32 v3, v4  }
0xfc: {  	v4 =	vperm.xlane v3, v0;
	_ =	sdelay $0x1  }
0xfd: {  	v4 =	vadd.s32 v1, v4;
	_ =	sdelay $0x1  }
0xfe: {  	v3 =	vperm.xlane v3, v2;
	_ =	sdelay $0x1  }
0xff: {  	v3 =	vadd.s32 v1, v3  }
0x100: {  	[tilespmem:s31], [sflag:$0x1] =	stream.indirect_vreg.gather [hbm4b:s1+s3], $0x80, v4, vm0, $0xb8;
	[tilespmem:$0x11900] =	vst v63  }
0x101: {  	_ = 	snop  }
0x102: {  	[tilespmem:s2], [sflag:$0x1] =	stream.indirect_vreg.gather [hbm4b:s5+s3], $0x80, v4, vm0, $0xb8;
	[tilespmem:$0x11900] =	vst v63  }
0x103: {  	_ = 	snop  }
0x104: {  	[tilespmem:s0], [sflag:$0x1] =	stream.indirect_vreg.gather [hbm4b:s1+s3], $0x80, v3, vm0, $0xb8;
	[tilespmem:$0x11900] =	vst v63  }
0x105: {  	_ = 	snop  }
0x106: {  	[tilespmem:s4], [sflag:$0x1] =	stream.indirect_vreg.gather [hbm4b:s5+s3], $0x80, v3, vm0, $0xb8;
	[tilespmem:$0x11900] =	vst v63  }
0x107: {  	v3 =	vld [tilespmem:s19+$0xFFFFFFF0];
	_ =	sdelay $0x4  }
0x108: {  	v62 =	vshll.u32 v3, $0x2  }
0x109: {  	v3 =	vand.u32 $0x7, v3;
	v4 =	vand.u32 $0xFFFFFFE0, v62  }
0x10a: {  	v3 =	vor.u32 v3, v4  }
0x10b: {  	v4 =	vperm.xlane v3, v0;
	_ =	sdelay $0x1  }
0x10c: {  	v4 =	vadd.s32 v1, v4;
	_ =	sdelay $0x1  }
0x10d: {  	v3 =	vperm.xlane v3, v2;
	_ =	sdelay $0x1  }
0x10e: {  	v3 =	vadd.s32 v1, v3  }
0x10f: {  	[tilespmem:s6], [sflag:$0x1] =	stream.indirect_vreg.gather [hbm4b:s1+s3], $0x80, v4, vm0, $0xb8;
	[tilespmem:$0x11900] =	vst v63  }
0x110: {  	_ = 	snop  }
0x111: {  	[tilespmem:s9], [sflag:$0x1] =	stream.indirect_vreg.gather [hbm4b:s5+s3], $0x80, v4, vm0, $0xb8;
	[tilespmem:$0x11900] =	vst v63  }
0x112: {  	_ = 	snop  }
0x113: {  	[tilespmem:s11], [sflag:$0x1] =	stream.indirect_vreg.gather [hbm4b:s1+s3], $0x80, v3, vm0, $0xb8;
	[tilespmem:$0x11900] =	vst v63  }
0x114: {  	_ = 	snop  }
0x115: {  	[tilespmem:s12], [sflag:$0x1] =	stream.indirect_vreg.gather [hbm4b:s5+s3], $0x80, v3, vm0, $0xb8;
	[tilespmem:$0x11900] =	vst v63  }
0x116: {  	v3 =	vld [tilespmem:s19+$0x0];
	_ =	sdelay $0x4  }
0x117: {  	v63 =	vshll.u32 v3, $0x2  }
0x118: {  	v3 =	vand.u32 $0x7, v3;
	v4 =	vand.u32 $0xFFFFFFE0, v63  }
0x119: {  	v3 =	vor.u32 v3, v4  }
0x11a: {  	v4 =	vperm.xlane v3, v0;
	_ =	sdelay $0x1  }
0x11b: {  	v4 =	vadd.s32 v1, v4;
	_ =	sdelay $0x2  }
0x11c: {  	v3 =	vperm.xlane v3, v2  }
0x11d: {  	s20 =	sadd.s32 $0x2000, s20  }
0x11e: {  	v3 =	vadd.s32 v1, v3;
	[tilespmem:s13], [sflag:$0x1] =	stream.indirect_vreg.gather [hbm4b:s1+s3], $0x80, v4, vm0, $0xb8;
	[tilespmem:$0x11900] =	vst v63  }
0x11f: {  	p0 =	sne.s32 s20, $0x64000  }
0x120: {  	[tilespmem:s14], [sflag:$0x1] =	stream.indirect_vreg.gather [hbm4b:s5+s3], $0x80, v4, vm0, $0xb8;
	[tilespmem:$0x11900] =	vst v63  }
.Ltmp3:
0x121: {  	_ = 	snop;
	(pc) =	sbr.rel @p0 .LBB2_2-.Ltmp3, $4  }
.Ltmp4:
0x122: {  	_ = 	snop;
	(pc) =	sbr.rel @!p0 .LBB2_4-.Ltmp4, $4  }
0x123: {  	[tilespmem:s15], [sflag:$0x1] =	stream.indirect_vreg.gather [hbm4b:s1+s3], $0x80, v3, vm0, $0xb8;
	[tilespmem:$0x11900] =	vst v63  }
0x124: {  	s19 =	sadd.s32 $0x80, s19  }
0x125: {  	[tilespmem:s16], [sflag:$0x1] =	stream.indirect_vreg.gather [hbm4b:s5+s3], $0x80, v3, vm0, $0xb8;
	[tilespmem:$0x11900] =	vst v63  }
0x126: {  	_ = 	snop  }
.LBB2_5:
0x127: {  	_ =	sfence.sel $0x180000  }
0x128: {  	[bflag:$0x0] =	sbarrier.arrive $0xFFFF  }
0x129: {  	_ =	strace $0x90000047  }
0x12a: {  	s0 =	stileid.u32;
	[bflag:$0x2] =	sbarrier.arrive $0xFFFF  }
0x12b: {  	p0 =	sne.s32 s0, $0x0;
	s0 =	rddreg [dreg:$0x3]  }
0x12c: {  	s0 =	sadd.s32 @!p0 $0x100000, s0  }
0x12d: {  	[sflag:s0] =	ssyncadd.tile.s32 @!p0 $0x1;
	_ =	shalt  }
.Lfunc_end2:
_tile_overlayer_lowered:
.L_overlay_start_2:
0x12e: {  	(tag) =	ssettag $0x2  }
0x12f: {  	s0 =	rddreg [dreg:$0x0];
	s2 =	stileid.u32  }
0x130: {  	s1 =	rddreg [dreg:$0x1];
	p0 =	sne.s32 s2, $0x0  }
0x131: {  	s3 =	rddreg [dreg:$0x2];
	[bflag:$0x3] =	sbarrier.arrive $0xFFFF;
	s2 =	simm.s32 @!p0 $0x1C03  }
0x132: {  	[timem:s3], [sflag:s2] =	dma.local @!p0 [hbm:s0], s1  }
0x133: {  	s0 =	simm.s32 @!p0 $0x3  }
0x134: {  	_ =	swait.ge @!p0 [sflag:s0], s1  }
0x135: {  	s1 =	ssub.s32 @!p0 $0x0, s1;
	[sflag:s0] =	ssyncset.done @!p0 $0x0  }
0x136: {  	[sflag:s0] =	ssyncadd.s32 @!p0 s1  }
0x137: {  	[bflag:$0x3] =	sbarrier.arrive $0xFFFF  }
0x138: {  	_ =	shalt  }

</sc_bundles>
